<compile_context>
chip_gen: v7x
topology: tpu7x:2x2x1
jax: 0.10.2.dev20260603
libtpu: 0.0.44.dev20260713+nightly
codegen_flags: <defaults>
</compile_context>

<pallas_src>
import functools

import jax
import jax.numpy as jnp
from jax import lax
from jax.experimental import pallas as pl
from jax.experimental.pallas import tpu as pltpu
from jax.experimental.pallas import tpu_sc as plsc

INPUT_DIM = 768
HIDDEN = INPUT_DIM // 2
NUM_EXPERTS = 64
N_TOKENS = 32768
BT = 2048

NC = 2
NS = 16
NW = NC * NS
TPW = N_TOKENS // NW
L = 16


def _cand_kernel(x_ref, w1_ref, b1_ref, w2_ref, b2_ref, out_ref):
    h = jnp.dot(x_ref[:], w1_ref[:], preferred_element_type=jnp.float32)
    h = jnp.maximum(h + b1_ref[:], 0.0)
    logits = jnp.dot(h, w2_ref[:], preferred_element_type=jnp.float32)
    logits = logits + b2_ref[:]

    lane_f = jax.lax.broadcasted_iota(jnp.int32, logits.shape, 1).astype(
        jnp.float32)
    m1 = jnp.max(logits, axis=-1, keepdims=True)
    i1f = jnp.min(jnp.where(logits == m1, lane_f, float(NUM_EXPERTS)),
                  axis=-1, keepdims=True)
    masked = jnp.where(lane_f == i1f, -jnp.inf, logits)
    m2 = jnp.max(masked, axis=-1, keepdims=True)
    i2f = jnp.min(jnp.where(masked == m2, lane_f, float(NUM_EXPERTS)),
                  axis=-1, keepdims=True)
    out = jnp.concatenate([m1, m2, i1f, i2f], axis=1)
    out_ref[:] = out.T


def _tc_candidates(x, W1, b1, W2, b2):
    n = x.shape[0]
    return pl.pallas_call(
        _cand_kernel,
        grid=(n // BT,),
        in_specs=[
            pl.BlockSpec((BT, INPUT_DIM), lambda i: (i, 0)),
            pl.BlockSpec((INPUT_DIM, HIDDEN), lambda i: (0, 0)),
            pl.BlockSpec((1, HIDDEN), lambda i: (0, 0)),
            pl.BlockSpec((HIDDEN, NUM_EXPERTS), lambda i: (0, 0)),
            pl.BlockSpec((1, NUM_EXPERTS), lambda i: (0, 0)),
        ],
        out_specs=pl.BlockSpec((4, BT), lambda i: (0, i)),
        out_shape=jax.ShapeDtypeStruct((4, n), jnp.float32),
        compiler_params=pltpu.CompilerParams(
            dimension_semantics=("parallel",),
        ),
    )(x, W1, b1.reshape(1, HIDDEN), W2, b2.reshape(1, NUM_EXPERTS))


def _sc_body(cand_hbm, ow_hbm, oi_hbm, vm, ow, oi):
    wid = lax.axis_index("s") * NC + lax.axis_index("c")
    base = wid * TPW
    pltpu.sync_copy(cand_hbm.at[:, pl.ds(base, TPW)], vm)

    def body(t, _):
        tt = t * L
        m1 = vm[0, pl.ds(tt, L)]
        m2 = vm[1, pl.ds(tt, L)]
        i1 = vm[2, pl.ds(tt, L)]
        i2 = vm[3, pl.ds(tt, L)]
        e2 = jnp.exp(m2 - m1)
        inv = 1.0 / (1.0 + e2)
        ow[0, pl.ds(tt, L)] = inv
        ow[1, pl.ds(tt, L)] = e2 * inv
        oi[0, pl.ds(tt, L)] = i1.astype(jnp.int32)
        oi[1, pl.ds(tt, L)] = i2.astype(jnp.int32)
        return 0

    lax.fori_loop(0, TPW // L, body, 0)
    pltpu.sync_copy(ow, ow_hbm.at[:, pl.ds(base, TPW)])
    pltpu.sync_copy(oi, oi_hbm.at[:, pl.ds(base, TPW)])


@functools.cache
def _sc_softmax():
    return pl.kernel(
        _sc_body,
        out_type=[
            jax.ShapeDtypeStruct((2, N_TOKENS), jnp.float32),
            jax.ShapeDtypeStruct((2, N_TOKENS), jnp.int32),
        ],
        mesh=plsc.VectorSubcoreMesh(
            core_axis_name="c", subcore_axis_name="s",
            num_cores=NC, num_subcores=NS),
        scratch_types=[
            pltpu.VMEM((4, TPW), jnp.float32),
            pltpu.VMEM((2, TPW), jnp.float32),
            pltpu.VMEM((2, TPW), jnp.int32),
        ],
    )


@jax.jit
def kernel(x, W1, b1, W2, b2):
    cand = _tc_candidates(x, W1, b1, W2, b2)
    ow, oi = _sc_softmax()(cand)
    return (ow.T, oi.T)

# --- scband reference (transcript-rebuilt; emitter-appended) ---
"""Pipeline reference for scband-expert-gate-75247827026070 (READ-ONLY COPY).

The authoritative reference and input builder live on the scoring server;
editing this copy changes nothing except your own understanding.
"""

import jax, jax.numpy as jnp
import numpy as np

INPUT_DIM = 768
HIDDEN = INPUT_DIM // 2
NUM_EXPERTS = 64
TOP_K = 2
N_TOKENS = 32768

def setup_inputs(seed: int = 0) -> dict:
    key = jax.random.key(seed)
    k0, k1, k2, k3, k4 = jax.random.split(key, 5)
    x = jax.random.normal(k0, (N_TOKENS, INPUT_DIM), dtype=jnp.float32)
    # nn.Linear default init: U(-1/sqrt(fan_in), 1/sqrt(fan_in))
    lim1 = 1.0 / np.sqrt(INPUT_DIM)
    W1 = jax.random.uniform(k1, (INPUT_DIM, HIDDEN), dtype=jnp.float32, minval=-lim1, maxval=lim1)
    b1 = jax.random.uniform(k2, (HIDDEN,), dtype=jnp.float32, minval=-lim1, maxval=lim1)
    lim2 = 1.0 / np.sqrt(HIDDEN)
    W2 = jax.random.uniform(k3, (HIDDEN, NUM_EXPERTS), dtype=jnp.float32, minval=-lim2, maxval=lim2)
    b2 = jax.random.uniform(k4, (NUM_EXPERTS,), dtype=jnp.float32, minval=-lim2, maxval=lim2)
    return {"x": x, "W1": W1, "b1": b1, "W2": W2, "b2": b2}

def reference(x, W1, b1, W2, b2):
    h = jnp.maximum(x @ W1 + b1, 0.0)
    gate_logits = h @ W2 + b2
    top_k_logits, top_k_indices = jax.lax.top_k(gate_logits, TOP_K)
    gate_weights = jax.nn.softmax(top_k_logits, axis=-1)
    return (gate_weights, top_k_indices)

if __name__ == "__main__":
    import jax
    _d = setup_inputs()
    print(jax.jit(kernel)(*tuple(_d.values())))

</pallas_src>

<mosaic_0001>
#map = affine_map<(d0, d1) -> (0, 0)>
module attributes {stable_mosaic.version = 14 : i64} {
  func.func @_sc_body(%arg0: i32, %arg1: i32, %arg2: memref<4x32768xf32, #tpu.memory_space<hbm>>, %arg3: memref<2x32768xf32, #tpu.memory_space<hbm>>, %arg4: memref<2x32768xi32, #tpu.memory_space<hbm>>, %arg5: memref<4x1024xf32, #tpu.memory_space<vmem>>, %arg6: memref<2x1024xf32, #tpu.memory_space<vmem>>, %arg7: memref<2x1024xi32, #tpu.memory_space<vmem>>) attributes {dimension_semantics = [#tpu.dimension_semantics<core_parallel>, #tpu.dimension_semantics<subcore_parallel>], iteration_bounds = array<i64: 2, 16>, scalar_prefetch = 0 : i64, scratch_operands = 3 : i64, tpu.core_type = #tpu.core_type<sc_vector_subcore>, window_params = [{transform_indices = #map}, {transform_indices = #map}, {transform_indices = #map}]} {
    %mul3A = arith.constant 2 : i32
    %mul3A_0 = arith.muli %arg1, %mul3A : i32
    %add3A = arith.addi %mul3A_0, %arg0 : i32
    %mul3A_1 = arith.constant 1024 : i32
    %mul3A_2 = arith.muli %add3A, %mul3A_1 : i32
    "tpu.region"() ({
      %run_scoped3A = tpu.sem_alloc : memref<!tpu.dma_semaphore, #tpu.memory_space<semaphore_mem>>
      %dma_start3A = arith.constant 0 : i32
      %dma_start3A_9 = tpu.memref_slice %arg2[%dma_start3A, %mul3A_2] : memref<4x32768xf32, #tpu.memory_space<hbm>> -> memref<4x1024xf32, #tpu.memory_space<hbm>>
      %dma_start3A_10 = arith.constant 0 : i32
      %dma_start3A_11 = tpu.memref_slice %arg2[%dma_start3A_10, %mul3A_2] : memref<4x32768xf32, #tpu.memory_space<hbm>> -> memref<4x1024xf32, #tpu.memory_space<hbm>>
      tpu.enqueue_dma source(%dma_start3A_11 : memref<4x1024xf32, #tpu.memory_space<hbm>>) target(%arg5 : memref<4x1024xf32, #tpu.memory_space<vmem>>) target_semaphore(%run_scoped3A : memref<!tpu.dma_semaphore, #tpu.memory_space<semaphore_mem>>)
      %dma_wait3A = arith.constant 0 : i32
      %dma_wait3A_12 = tpu.memref_slice %arg2[%dma_wait3A, %mul3A_2] : memref<4x32768xf32, #tpu.memory_space<hbm>> -> memref<4x1024xf32, #tpu.memory_space<hbm>>
      %dma_wait3A_13 = arith.constant 0 : i32
      %dma_wait3A_14 = tpu.memref_slice %arg2[%dma_wait3A_13, %mul3A_2] : memref<4x32768xf32, #tpu.memory_space<hbm>> -> memref<4x1024xf32, #tpu.memory_space<hbm>>
      tpu.wait_dma2 semaphore(%run_scoped3A : memref<!tpu.dma_semaphore, #tpu.memory_space<semaphore_mem>>) src(%dma_wait3A_14 : memref<4x1024xf32, #tpu.memory_space<hbm>>) dst(%arg5 : memref<4x1024xf32, #tpu.memory_space<vmem>>)
      tpu.yield
    }) : () -> ()
    %scan3A = arith.constant 0 : i32
    %scan3A_3 = arith.constant 0 : i32
    %scan3A_4 = arith.constant 64 : i32
    %scan3A_5 = arith.addi %scan3A_3, %scan3A_4 : i32
    %scan3A_6 = arith.constant 1 : i32
    %scan3A_7 = scf.for %scan3A_9 = %scan3A_3 to %scan3A_5 step %scan3A_6 iter_args(%scan3A_10 = %scan3A) -> (i32)  : i32 {
      %mul3A_11 = arith.constant 16 : i32
      %mul3A_12 = arith.muli %scan3A_9, %mul3A_11 : i32
      %get3A = arith.constant 0 : i32
      %get3A_13 = arith.index_cast %get3A : i32 to index
      %get3A_14 = arith.index_cast %mul3A_12 : i32 to index
      %get3A_15 = tpu.vector_load %arg5[%get3A_13, %get3A_14] {strides = array<i32>} : memref<4x1024xf32, #tpu.memory_space<vmem>>, vector<1x16xf32>,
      %get3A_16 = vector.shape_cast %get3A_15 : vector<1x16xf32> to vector<16xf32>
      %get3A_17 = arith.constant 1 : i32
      %get3A_18 = arith.index_cast %get3A_17 : i32 to index
      %get3A_19 = arith.index_cast %mul3A_12 : i32 to index
      %get3A_20 = tpu.vector_load %arg5[%get3A_18, %get3A_19] {strides = array<i32>} : memref<4x1024xf32, #tpu.memory_space<vmem>>, vector<1x16xf32>,
      %get3A_21 = vector.shape_cast %get3A_20 : vector<1x16xf32> to vector<16xf32>
      %get3A_22 = arith.constant 2 : i32
      %get3A_23 = arith.index_cast %get3A_22 : i32 to index
      %get3A_24 = arith.index_cast %mul3A_12 : i32 to index
      %get3A_25 = tpu.vector_load %arg5[%get3A_23, %get3A_24] {strides = array<i32>} : memref<4x1024xf32, #tpu.memory_space<vmem>>, vector<1x16xf32>,
      %get3A_26 = vector.shape_cast %get3A_25 : vector<1x16xf32> to vector<16xf32>
      %get3A_27 = arith.constant 3 : i32
      %get3A_28 = arith.index_cast %get3A_27 : i32 to index
      %get3A_29 = arith.index_cast %mul3A_12 : i32 to index
      %get3A_30 = tpu.vector_load %arg5[%get3A_28, %get3A_29] {strides = array<i32>} : memref<4x1024xf32, #tpu.memory_space<vmem>>, vector<1x16xf32>,
      %get3A_31 = vector.shape_cast %get3A_30 : vector<1x16xf32> to vector<16xf32>
      %sub3A = arith.subf %get3A_21, %get3A_16 : vector<16xf32>
      %exp3A = math.exp %sub3A : vector<16xf32>
      %add3A_32 = arith.constant 1.000000e+00 : f32
      %add3A_33 = vector.broadcast %add3A_32 : f32 to vector<16xf32>
      %add3A_34 = arith.addf %add3A_33, %exp3A : vector<16xf32>
      %div3A = arith.constant 1.000000e+00 : f32
      %div3A_35 = vector.broadcast %div3A : f32 to vector<16xf32>
      %div3A_36 = arith.divf %div3A_35, %add3A_34 : vector<16xf32>
      %swap3A = arith.constant 0 : i32
      %swap3A_37 = arith.index_cast %swap3A : i32 to index
      %swap3A_38 = arith.index_cast %mul3A_12 : i32 to index
      %swap3A_39 = tpu.vector_load %arg6[%swap3A_37, %swap3A_38] {strides = array<i32>} : memref<2x1024xf32, #tpu.memory_space<vmem>>, vector<1x16xf32>,
      %swap3A_40 = vector.shape_cast %swap3A_39 : vector<1x16xf32> to vector<16xf32>
      %swap3A_41 = vector.shape_cast %div3A_36 : vector<16xf32> to vector<1x16xf32>
      tpu.vector_store %arg6[%swap3A_37, %swap3A_38], %swap3A_41 {strides = array<i32>} : memref<2x1024xf32, #tpu.memory_space<vmem>>, vector<1x16xf32>,
      %mul3A_42 = arith.mulf %exp3A, %div3A_36 : vector<16xf32>
      %swap3A_43 = arith.constant 1 : i32
      %swap3A_44 = arith.index_cast %swap3A_43 : i32 to index
      %swap3A_45 = arith.index_cast %mul3A_12 : i32 to index
      %swap3A_46 = tpu.vector_load %arg6[%swap3A_44, %swap3A_45] {strides = array<i32>} : memref<2x1024xf32, #tpu.memory_space<vmem>>, vector<1x16xf32>,
      %swap3A_47 = vector.shape_cast %swap3A_46 : vector<1x16xf32> to vector<16xf32>
      %swap3A_48 = vector.shape_cast %mul3A_42 : vector<16xf32> to vector<1x16xf32>
      tpu.vector_store %arg6[%swap3A_44, %swap3A_45], %swap3A_48 {strides = array<i32>} : memref<2x1024xf32, #tpu.memory_space<vmem>>, vector<1x16xf32>,
      %convert_element_type3A = arith.fptosi %get3A_26 : vector<16xf32> to vector<16xi32>
      %swap3A_49 = arith.constant 0 : i32
      %swap3A_50 = arith.index_cast %swap3A_49 : i32 to index
      %swap3A_51 = arith.index_cast %mul3A_12 : i32 to index
      %swap3A_52 = tpu.vector_load %arg7[%swap3A_50, %swap3A_51] {strides = array<i32>} : memref<2x1024xi32, #tpu.memory_space<vmem>>, vector<1x16xi32>,
      %swap3A_53 = vector.shape_cast %swap3A_52 : vector<1x16xi32> to vector<16xi32>
      %swap3A_54 = vector.shape_cast %convert_element_type3A : vector<16xi32> to vector<1x16xi32>
      tpu.vector_store %arg7[%swap3A_50, %swap3A_51], %swap3A_54 {strides = array<i32>} : memref<2x1024xi32, #tpu.memory_space<vmem>>, vector<1x16xi32>,
      %convert_element_type3A_55 = arith.fptosi %get3A_31 : vector<16xf32> to vector<16xi32>
      %swap3A_56 = arith.constant 1 : i32
      %swap3A_57 = arith.index_cast %swap3A_56 : i32 to index
      %swap3A_58 = arith.index_cast %mul3A_12 : i32 to index
      %swap3A_59 = tpu.vector_load %arg7[%swap3A_57, %swap3A_58] {strides = array<i32>} : memref<2x1024xi32, #tpu.memory_space<vmem>>, vector<1x16xi32>,
      %swap3A_60 = vector.shape_cast %swap3A_59 : vector<1x16xi32> to vector<16xi32>
      %swap3A_61 = vector.shape_cast %convert_element_type3A_55 : vector<16xi32> to vector<1x16xi32>
      tpu.vector_store %arg7[%swap3A_57, %swap3A_58], %swap3A_61 {strides = array<i32>} : memref<2x1024xi32, #tpu.memory_space<vmem>>, vector<1x16xi32>,
      %scan3A_62 = arith.constant 0 : i32
      scf.yield %scan3A_62 : i32
    }
    %scan3A_8 = arith.constant 64 : i32
    "tpu.region"() ({
      %run_scoped3A = tpu.sem_alloc : memref<!tpu.dma_semaphore, #tpu.memory_space<semaphore_mem>>
      %dma_start3A = arith.constant 0 : i32
      %dma_start3A_9 = tpu.memref_slice %arg3[%dma_start3A, %mul3A_2] : memref<2x32768xf32, #tpu.memory_space<hbm>> -> memref<2x1024xf32, #tpu.memory_space<hbm>>
      %dma_start3A_10 = arith.constant 0 : i32
      %dma_start3A_11 = tpu.memref_slice %arg3[%dma_start3A_10, %mul3A_2] : memref<2x32768xf32, #tpu.memory_space<hbm>> -> memref<2x1024xf32, #tpu.memory_space<hbm>>
      tpu.enqueue_dma source(%arg6 : memref<2x1024xf32, #tpu.memory_space<vmem>>) target(%dma_start3A_11 : memref<2x1024xf32, #tpu.memory_space<hbm>>) target_semaphore(%run_scoped3A : memref<!tpu.dma_semaphore, #tpu.memory_space<semaphore_mem>>)
      %dma_wait3A = arith.constant 0 : i32
      %dma_wait3A_12 = tpu.memref_slice %arg3[%dma_wait3A, %mul3A_2] : memref<2x32768xf32, #tpu.memory_space<hbm>> -> memref<2x1024xf32, #tpu.memory_space<hbm>>
      %dma_wait3A_13 = arith.constant 0 : i32
      %dma_wait3A_14 = tpu.memref_slice %arg3[%dma_wait3A_13, %mul3A_2] : memref<2x32768xf32, #tpu.memory_space<hbm>> -> memref<2x1024xf32, #tpu.memory_space<hbm>>
      tpu.wait_dma2 semaphore(%run_scoped3A : memref<!tpu.dma_semaphore, #tpu.memory_space<semaphore_mem>>) src(%arg6 : memref<2x1024xf32, #tpu.memory_space<vmem>>) dst(%dma_wait3A_14 : memref<2x1024xf32, #tpu.memory_space<hbm>>)
      tpu.yield
    }) : () -> ()
    "tpu.region"() ({
      %run_scoped3A = tpu.sem_alloc : memref<!tpu.dma_semaphore, #tpu.memory_space<semaphore_mem>>
      %dma_start3A = arith.constant 0 : i32
      %dma_start3A_9 = tpu.memref_slice %arg4[%dma_start3A, %mul3A_2] : memref<2x32768xi32, #tpu.memory_space<hbm>> -> memref<2x1024xi32, #tpu.memory_space<hbm>>
      %dma_start3A_10 = arith.constant 0 : i32
      %dma_start3A_11 = tpu.memref_slice %arg4[%dma_start3A_10, %mul3A_2] : memref<2x32768xi32, #tpu.memory_space<hbm>> -> memref<2x1024xi32, #tpu.memory_space<hbm>>
      tpu.enqueue_dma source(%arg7 : memref<2x1024xi32, #tpu.memory_space<vmem>>) target(%dma_start3A_11 : memref<2x1024xi32, #tpu.memory_space<hbm>>) target_semaphore(%run_scoped3A : memref<!tpu.dma_semaphore, #tpu.memory_space<semaphore_mem>>)
      %dma_wait3A = arith.constant 0 : i32
      %dma_wait3A_12 = tpu.memref_slice %arg4[%dma_wait3A, %mul3A_2] : memref<2x32768xi32, #tpu.memory_space<hbm>> -> memref<2x1024xi32, #tpu.memory_space<hbm>>
      %dma_wait3A_13 = arith.constant 0 : i32
      %dma_wait3A_14 = tpu.memref_slice %arg4[%dma_wait3A_13, %mul3A_2] : memref<2x32768xi32, #tpu.memory_space<hbm>> -> memref<2x1024xi32, #tpu.memory_space<hbm>>
      tpu.wait_dma2 semaphore(%run_scoped3A : memref<!tpu.dma_semaphore, #tpu.memory_space<semaphore_mem>>) src(%arg7 : memref<2x1024xi32, #tpu.memory_space<vmem>>) dst(%dma_wait3A_14 : memref<2x1024xi32, #tpu.memory_space<hbm>>)
      tpu.yield
    }) : () -> ()
    return
  }
}

module attributes {stable_mosaic.version = 14 : i64} {
  func.func @_cand_kernel(%arg0: i32, %arg1: memref<2048x768xf32, #tpu.memory_space<vmem>>, %arg2: memref<768x384xf32, #tpu.memory_space<vmem>>, %arg3: memref<1x384xf32, #tpu.memory_space<vmem>>, %arg4: memref<384x64xf32, #tpu.memory_space<vmem>>, %arg5: memref<1x64xf32, #tpu.memory_space<vmem>>, %arg6: memref<4x2048xf32, #tpu.memory_space<vmem>>) attributes {dimension_semantics = [#tpu.dimension_semantics<parallel>], iteration_bounds = array<i64: 16>, scalar_prefetch = 0 : i64, scratch_operands = 0 : i64, tpu.core_type = #tpu.core_type<tc>, window_params = [{transform_indices = @transform_0, window_bounds = array<i64: 2048, 768>}, {pipeline_mode = #tpu.pipeline_mode<synchronous>, transform_indices = @transform_1, window_bounds = array<i64: 768, 384>}, {pipeline_mode = #tpu.pipeline_mode<synchronous>, transform_indices = @transform_2, window_bounds = array<i64: 1, 384>}, {pipeline_mode = #tpu.pipeline_mode<synchronous>, transform_indices = @transform_3, window_bounds = array<i64: 384, 64>}, {pipeline_mode = #tpu.pipeline_mode<synchronous>, transform_indices = @transform_4, window_bounds = array<i64: 1, 64>}, {transform_indices = @transform_5, window_bounds = array<i64: 4, 2048>}]} {
    %get3A = arith.constant 0 : index
    %get3A_0 = arith.constant 0 : index
    %get3A_1 = vector.load %arg1[%get3A, %get3A_0] : memref<2048x768xf32, #tpu.memory_space<vmem>>, vector<2048x768xf32>
    %get3A_2 = arith.constant 0 : index
    %get3A_3 = arith.constant 0 : index
    %get3A_4 = vector.load %arg2[%get3A_2, %get3A_3] : memref<768x384xf32, #tpu.memory_space<vmem>>, vector<768x384xf32>
    %dot_general3A = arith.constant dense<0.000000e+00> : vector<2048x384xf32>
    %dot_general3A_5 = tpu.matmul %get3A_1, %get3A_4, %dot_general3A {dimension_numbers = #tpu.dot_dimension_numbers<[1], [0], [0], [1], [0, 0, 1, 1], [], []>, transpose_lhs_hint = false} : vector<2048x768xf32>, vector<768x384xf32>, vector<2048x384xf32> -> vector<2048x384xf32>
    %get3A_6 = arith.constant 0 : index
    %get3A_7 = arith.constant 0 : index
    %get3A_8 = vector.load %arg3[%get3A_6, %get3A_7] : memref<1x384xf32, #tpu.memory_space<vmem>>, vector<1x384xf32>
    %add3A = vector.broadcast %get3A_8 : vector<1x384xf32> to vector<2048x384xf32>
    %add3A_9 = arith.addf %dot_general3A_5, %add3A : vector<2048x384xf32>
    %max3A = arith.constant 0.000000e+00 : f32
    %max3A_10 = vector.broadcast %max3A : f32 to vector<2048x384xf32>
    %max3A_11 = arith.maximumf %add3A_9, %max3A_10 : vector<2048x384xf32>
    %get3A_12 = arith.constant 0 : index
    %get3A_13 = arith.constant 0 : index
    %get3A_14 = vector.load %arg4[%get3A_12, %get3A_13] : memref<384x64xf32, #tpu.memory_space<vmem>>, vector<384x64xf32>
    %dot_general3A_15 = arith.constant dense<0.000000e+00> : vector<2048x64xf32>
    %dot_general3A_16 = tpu.matmul %max3A_11, %get3A_14, %dot_general3A_15 {dimension_numbers = #tpu.dot_dimension_numbers<[1], [0], [0], [1], [0, 0, 1, 1], [], []>, transpose_lhs_hint = false} : vector<2048x384xf32>, vector<384x64xf32>, vector<2048x64xf32> -> vector<2048x64xf32>
    %get3A_17 = arith.constant 0 : index
    %get3A_18 = arith.constant 0 : index
    %get3A_19 = vector.load %arg5[%get3A_17, %get3A_18] : memref<1x64xf32, #tpu.memory_space<vmem>>, vector<1x64xf32>
    %add3A_20 = vector.broadcast %get3A_19 : vector<1x64xf32> to vector<2048x64xf32>
    %add3A_21 = arith.addf %dot_general3A_16, %add3A_20 : vector<2048x64xf32>
    %iota3A = tpu.iota {dimensions = array<i32: 1>} : vector<2048x64xi32>
    %convert_element_type3A = arith.sitofp %iota3A : vector<2048x64xi32> to vector<2048x64xf32>
    %reduce_max3A = arith.constant dense<0xFF800000> : vector<2048xf32>
    %reduce_max3A_22 = vector.multi_reduction <maximumf>, %add3A_21, %reduce_max3A [1] : vector<2048x64xf32> to vector<2048xf32>
    %broadcast_in_dim3A = vector.shape_cast %reduce_max3A_22 : vector<2048xf32> to vector<2048x1xf32>
    %eq3A = vector.broadcast %broadcast_in_dim3A : vector<2048x1xf32> to vector<2048x64xf32>
    %eq3A_23 = arith.cmpf oeq, %add3A_21, %eq3A : vector<2048x64xf32>
    %jit3A = arith.constant 6.400000e+01 : f32
    %broadcast_in_dim3A_24 = vector.broadcast %jit3A : f32 to vector<2048x64xf32>
    %select_n3A = arith.select %eq3A_23, %convert_element_type3A, %broadcast_in_dim3A_24 : vector<2048x64xi1>, vector<2048x64xf32>
    %reduce_min3A = arith.constant dense<0x7F800000> : vector<2048xf32>
    %reduce_min3A_25 = vector.multi_reduction <minimumf>, %select_n3A, %reduce_min3A [1] : vector<2048x64xf32> to vector<2048xf32>
    %broadcast_in_dim3A_26 = vector.shape_cast %reduce_min3A_25 : vector<2048xf32> to vector<2048x1xf32>
    %eq3A_27 = vector.broadcast %broadcast_in_dim3A_26 : vector<2048x1xf32> to vector<2048x64xf32>
    %eq3A_28 = arith.cmpf oeq, %convert_element_type3A, %eq3A_27 : vector<2048x64xf32>
    %jit3A_29 = arith.constant 0xFF800000 : f32
    %broadcast_in_dim3A_30 = vector.broadcast %jit3A_29 : f32 to vector<2048x64xf32>
    %select_n3A_31 = arith.select %eq3A_28, %broadcast_in_dim3A_30, %add3A_21 : vector<2048x64xi1>, vector<2048x64xf32>
    %reduce_max3A_32 = arith.constant dense<0xFF800000> : vector<2048xf32>
    %reduce_max3A_33 = vector.multi_reduction <maximumf>, %select_n3A_31, %reduce_max3A_32 [1] : vector<2048x64xf32> to vector<2048xf32>
    %broadcast_in_dim3A_34 = vector.shape_cast %reduce_max3A_33 : vector<2048xf32> to vector<2048x1xf32>
    %eq3A_35 = vector.broadcast %broadcast_in_dim3A_34 : vector<2048x1xf32> to vector<2048x64xf32>
    %eq3A_36 = arith.cmpf oeq, %select_n3A_31, %eq3A_35 : vector<2048x64xf32>
    %jit3A_37 = arith.constant 6.400000e+01 : f32
    %broadcast_in_dim3A_38 = vector.broadcast %jit3A_37 : f32 to vector<2048x64xf32>
    %select_n3A_39 = arith.select %eq3A_36, %convert_element_type3A, %broadcast_in_dim3A_38 : vector<2048x64xi1>, vector<2048x64xf32>
    %reduce_min3A_40 = arith.constant dense<0x7F800000> : vector<2048xf32>
    %reduce_min3A_41 = vector.multi_reduction <minimumf>, %select_n3A_39, %reduce_min3A_40 [1] : vector<2048x64xf32> to vector<2048xf32>
    %broadcast_in_dim3A_42 = vector.shape_cast %reduce_min3A_41 : vector<2048xf32> to vector<2048x1xf32>
    %concatenate3A = tpu.concatenate %broadcast_in_dim3A, %broadcast_in_dim3A_34, %broadcast_in_dim3A_26, %broadcast_in_dim3A_42 in 1 : vector<2048x1xf32>, vector<2048x1xf32>, vector<2048x1xf32>, vector<2048x1xf32> -> vector<2048x4xf32>
    %transpose3A = tpu.transpose %concatenate3A, [1, 0] : vector<2048x4xf32> -> vector<4x2048xf32>
    %swap3A = arith.constant 0 : index
    %swap3A_43 = arith.constant 0 : index
    %swap3A_44 = vector.load %arg6[%swap3A, %swap3A_43] : memref<4x2048xf32, #tpu.memory_space<vmem>>, vector<4x2048xf32>
    tpu.vector_store %arg6[%swap3A, %swap3A_43], %transpose3A {strides = array<i32>} : memref<4x2048xf32, #tpu.memory_space<vmem>>, vector<4x2048xf32>,
    return
  }
  func.func @transform_0(%arg0: i32) -> (i32, i32) {
    %c0_i32 = arith.constant 0 : i32
    %c0_i32_0 = arith.constant 0 : i32
    return %arg0, %c0_i32 : i32, i32
  }
  func.func @transform_1(%arg0: i32) -> (i32, i32) {
    %c0_i32 = arith.constant 0 : i32
    %c0_i32_0 = arith.constant 0 : i32
    %c0_i32_1 = arith.constant 0 : i32
    return %c0_i32, %c0_i32_0 : i32, i32
  }
  func.func @transform_2(%arg0: i32) -> (i32, i32) {
    %c0_i32 = arith.constant 0 : i32
    %c0_i32_0 = arith.constant 0 : i32
    %c0_i32_1 = arith.constant 0 : i32
    return %c0_i32, %c0_i32_0 : i32, i32
  }
  func.func @transform_3(%arg0: i32) -> (i32, i32) {
    %c0_i32 = arith.constant 0 : i32
    %c0_i32_0 = arith.constant 0 : i32
    %c0_i32_1 = arith.constant 0 : i32
    return %c0_i32, %c0_i32_0 : i32, i32
  }
  func.func @transform_4(%arg0: i32) -> (i32, i32) {
    %c0_i32 = arith.constant 0 : i32
    %c0_i32_0 = arith.constant 0 : i32
    %c0_i32_1 = arith.constant 0 : i32
    return %c0_i32, %c0_i32_0 : i32, i32
  }
  func.func @transform_5(%arg0: i32) -> (i32, i32) {
    %c0_i32 = arith.constant 0 : i32
    %c0_i32_0 = arith.constant 0 : i32
    return %c0_i32, %arg0 : i32, i32
  }
}

</mosaic_0001>

<sc_bundles>
// kernel: kernel.4.cloned.1.call-start
scs
__scs_entry_jumppad:
0x0: {  	(pc) =	sbr.rel $0x88, $3  }
0x1: {  	(tag) =	ssettag $0x0;
	lr =	simm.s32 $0x1  }
0x2: {  	[smem:$0x3F9C] =	sst lr;
	_ =	strace $0xD0000000  }
0x3: {  	_ = 	snop  }
0x4: {  	_ = 	snop  }
0x5: {  	_ = 	snop  }
0x6: {  	_ = 	snop  }
0x7: {  	_ = 	snop  }
__scs_overlays_trampoline_lowered:
0x8: {  	[smem:$0x3FAB] =	sst s0  }
0x9: {  	[smem:$0x3FAC] =	sst s1  }
0xa: {  	[smem:$0x3FAD] =	sst s2  }
0xb: {  	[smem:$0x3FAE] =	sst s3  }
0xc: {  	[smem:$0x3FAF] =	sst s4  }
0xd: {  	[smem:$0x3FB0] =	sst s5  }
0xe: {  	[smem:$0x3FB1] =	sst s6  }
0xf: {  	[smem:$0x3FB2] =	sst s7  }
0x10: {  	[smem:$0x3FB3] =	sst s8  }
0x11: {  	[smem:$0x3FB4] =	sst s9;
	s0 =	simm.s32 @!p0 $0x0  }
0x12: {  	s1 =	sld [smem:$0x3F9A];
	s0 =	simm.s32 @p0 $0x1  }
0x13: {  	[smem:$0x3FB5] =	sst s0;
	s0 =	simm.s32 @!p1 $0x0  }
0x14: {  	s2 =	sld [smem:$0x3F99];
	s0 =	simm.s32 @p1 $0x1  }
0x15: {  	[smem:$0x3FB6] =	sst s0;
	s0 =	simm.s32 @!p2 $0x0  }
0x16: {  	s3 =	sld [smem:$0x3FDB];
	s0 =	simm.s32 @p2 $0x1  }
0x17: {  	s4 =	simm.s32 $0x1BF5;
	[smem:$0x3FB8] =	sst s0  }
0x18: {  	s0 =	sld [smem:$0x3F9B];
	_ =	swait.ge [sflag:s4], $0x0  }
0x19: {  	s7 =	sld [smem:$0x3F9C]  }
0x1a: {  	s8 =	sadd.s32 $0xFFFFE003, lr  }
0x1b: {  	s9 =	sadd.s32 $0xFFFFFEF7, lr;
	s5 =	simm.s32 $0xFFFFFFFF;
	p2 =	slt.u32 s8, $0xFFFFF086  }
0x1c: {  	p1 =	slt.u32 s9, $0xF7A;
	s5 =	simm.s32 @!p2 $0x0  }
0x1d: {  	s5 =	simm.s32 @p1 $0x1;
	p0 =	seq.s32 s7, s2  }
0x1e: {  	s7 =	smul.u32 @!p0 $0xF7A, s2;
	p2 =	seq.s32 @!p0 s5, $0x0  }
0x1f: {  	s9 =	smul.u32 $0xF7A, s1;
	s8 =	simm.s32 @!p0 $0x1BF5;
	p2 =	por !p2, p0  }
0x20: {  	[sflag:s8] =	ssyncset.s32 @!p0 $0xFFFFF086;
	s6 =	sadd.s32 @!p0 s3, s7;
	s7 =	simm.s32 @!p0 $0x108  }
0x21: {  	s3 =	sadd.s32 s3, s9;
	s6 =	sadd.s32 @!p0 $0x88, s6;
	s7 =	simm.s32 @p2 $0x1082  }
0x22: {  	[simem:s7], [sflag:s8] =	dma.local @!p0 [hbm:s6], $0xF7A  }
0x23: {  	s9 =	sor.u32 $0xD0000000, s2;
	s6 =	simm.s32 $0x108;
	_ =	swait.ge @!p0 [sflag:s8], $0x0  }
0x24: {  	s3 =	sadd.s32 $0x88, s3;
	s6 =	simm.s32 @!p1 $0x1082;
	[sflag:s4] =	ssyncset.s32 $0xFFFFF086  }
0x25: {  	[simem:s6], [sflag:s4] =	dma.local [hbm:s3], $0xF7A  }
0x26: {  	[smem:$0x3F9C] =	sst s1;
	(tag) =	ssettag s2;
	_ =	strace s9  }
0x27: {  	s1 =	sld [smem:$0x3FAC]  }
0x28: {  	s2 =	sld [smem:$0x3FAD]  }
0x29: {  	s4 =	sld [smem:$0x3FAF]  }
0x2a: {  	p0 =	seq.s32 s5, $0x0;
	s5 =	sld [smem:$0x3FB0]  }
0x2b: {  	s6 =	sld [smem:$0x3FB1]  }
0x2c: {  	s7 =	sld [smem:$0x3FB2]  }
0x2d: {  	s3 =	simm.s32 $0x108;
	s8 =	sld [smem:$0x3FB3]  }
0x2e: {  	s3 =	simm.s32 @!p0 $0x1082;
	s9 =	sld [smem:$0x3FB4]  }
0x2f: {  	lr =	sadd.s32 s0, s3;
	s0 =	sld [smem:$0x3FAB]  }
0x30: {  	s3 =	sld [smem:$0x3FAE]  }
0x31: {  	[smem:$0x3FB7] =	sst s10  }
0x32: {  	s10 =	sld [smem:$0x3FB5];
	_ =	sdelay $0x3  }
0x33: {  	p0 =	seq.s32 s10, $0x1;
	s10 =	sld [smem:$0x3FB7];
	_ =	sdelay $0x3  }
0x34: {  	[smem:$0x3FB7] =	sst s10  }
0x35: {  	s10 =	sld [smem:$0x3FB6];
	_ =	sdelay $0x3  }
0x36: {  	p1 =	seq.s32 s10, $0x1;
	s10 =	sld [smem:$0x3FB7];
	_ =	sdelay $0x3  }
0x37: {  	[smem:$0x3FB7] =	sst s10  }
0x38: {  	s10 =	sld [smem:$0x3FB8]  }
0x39: {  	_ = 	snop;
	(pc) =	sbr.ind lr, $3  }
0x3a: {  	_ = 	snop  }
0x3b: {  	_ = 	snop  }
0x3c: {  	p2 =	seq.s32 s10, $0x1;
	s10 =	sld [smem:$0x3FB7]  }
0x3d: {  	_ =	shalt  }
0x3e: {  	_ =	shalt  }
0x3f: {  	_ =	shalt  }
0x40: {  	_ =	shalt  }
0x41: {  	_ =	shalt  }
0x42: {  	_ =	shalt  }
0x43: {  	_ =	shalt  }
0x44: {  	_ =	shalt  }
0x45: {  	_ =	shalt  }
0x46: {  	_ =	shalt  }
0x47: {  	_ =	shalt  }
0x48: {  	_ =	shalt  }
0x49: {  	_ =	shalt  }
0x4a: {  	_ =	shalt  }
0x4b: {  	_ =	shalt  }
0x4c: {  	_ =	shalt  }
0x4d: {  	_ =	shalt  }
0x4e: {  	_ =	shalt  }
0x4f: {  	_ =	shalt  }
0x50: {  	_ =	shalt  }
0x51: {  	_ =	shalt  }
0x52: {  	_ =	shalt  }
0x53: {  	_ =	shalt  }
0x54: {  	_ =	shalt  }
0x55: {  	_ =	shalt  }
0x56: {  	_ =	shalt  }
0x57: {  	_ =	shalt  }
0x58: {  	_ =	shalt  }
0x59: {  	_ =	shalt  }
0x5a: {  	_ =	shalt  }
0x5b: {  	_ =	shalt  }
0x5c: {  	_ =	shalt  }
0x5d: {  	_ =	shalt  }
0x5e: {  	_ =	shalt  }
0x5f: {  	_ =	shalt  }
0x60: {  	_ =	shalt  }
0x61: {  	_ =	shalt  }
0x62: {  	_ =	shalt  }
0x63: {  	_ =	shalt  }
0x64: {  	_ =	shalt  }
0x65: {  	_ =	shalt  }
0x66: {  	_ =	shalt  }
0x67: {  	_ =	shalt  }
0x68: {  	_ =	shalt  }
0x69: {  	_ =	shalt  }
0x6a: {  	_ =	shalt  }
0x6b: {  	_ =	shalt  }
0x6c: {  	_ =	shalt  }
0x6d: {  	_ =	shalt  }
0x6e: {  	_ =	shalt  }
0x6f: {  	_ =	shalt  }
0x70: {  	_ =	shalt  }
0x71: {  	_ =	shalt  }
0x72: {  	_ =	shalt  }
0x73: {  	_ =	shalt  }
0x74: {  	_ =	shalt  }
0x75: {  	_ =	shalt  }
0x76: {  	_ =	shalt  }
0x77: {  	_ =	shalt  }
0x78: {  	_ =	shalt  }
0x79: {  	_ =	shalt  }
0x7a: {  	_ =	shalt  }
0x7b: {  	_ =	shalt  }
0x7c: {  	_ =	shalt  }
0x7d: {  	_ =	shalt  }
0x7e: {  	_ =	shalt  }
0x7f: {  	_ =	shalt  }
0x80: {  	_ =	shalt  }
0x81: {  	_ =	shalt  }
0x82: {  	_ =	shalt  }
0x83: {  	_ =	shalt  }
0x84: {  	_ =	shalt  }
0x85: {  	_ =	shalt  }
0x86: {  	_ =	shalt  }
0x87: {  	_ =	shalt  }
.Lfunc_end0:
.L_simem_size_0:
called_computation_lowered:
.L_overlay_start_0:
0x88: {  	s2 =	sld [smem:$0x3FD9]  }
0x89: {  	s3 =	sld [smem:$0x3FFE];
	_ =	sdelay $0x1  }
0x8a: {  	s1 =	srdreg.scid  }
0x8b: {  	s0 =	sand.u32 $0x1, s1  }
0x8c: {  	s14 =	sshll.u32 s0, $0xA;
	s2 =	sadd.s32 s3, s2  }
0x8d: {  	s2 =	sadd.s32 s2, s14  }
0x8e: {  	[smem:$0x3FC3] =	sst s2  }
0x8f: {  	_ = 	snop  }
0x90: {  	s2 =	sld [smem:$0x3FD0];
	_ =	sdelay $0x2  }
0x91: {  	s15 =	simm.s32 $0xA;
	s4 =	simm.s32 $0x10  }
0x92: {  	[smem:s4], [sflag:s15] =	dma.local [hbm:s2], $0x1  }
0x93: {  	_ =	swait.eq [sflag:s15], $0x1  }
0x94: {  	[sflag:s15] =	ssyncset.done $0x0  }
0x95: {  	s16 =	sld [smem:$0x10];
	[sflag:s15] =	ssyncadd.s32 $0xFFFFFFFF  }
0x96: {  	s17 =	sld [smem:$0x11];
	(tm) =	ssettm $0x1  }
0x97: {  	s18 =	sld [smem:$0x3FFB];
	_ =	sdelay $0x3  }
0x98: {  	_ =	strace s18  }
0x99: {  	s4 =	sld [smem:$0x3FFC];
	_ =	sdelay $0x3  }
0x9a: {  	_ =	strace s4  }
0x9b: {  	s4 =	sld [smem:$0x3FFD];
	_ =	sdelay $0x3  }
0x9c: {  	_ =	strace s4  }
0x9d: {  	_ =	strace $0x8FFFFFFF  }
0x9e: {  	s19 =	sld [smem:$0x3FDB];
	_ =	sdelay $0x1  }
0x9f: {  	s5 =	simm.s32 $_scs_section_size  }
0xa0: {  	s6 =	simm.s32 $_size__tile_overlayer_lowered;
	s7 =	simm.s32 $_tile_overlayer_lowered  }
0xa1: {  	s22 =	simm.s32 $0x1BFF;
	s21 =	sshll.u32 s7, $0x1;
	s4 =	sadd.s32 s5, s19  }
0xa2: {  	s8 =	simm.s32 $0x0;
	s20 =	sshll.u32 s6, $0x1;
	s6 =	sadd.s32 s21, s4  }
0xa3: {  	[timem:s8], [sflag:s22] =	dma.local [hbm:s6], s20  }
0xa4: {  	_ =	swait.ge [sflag:s22], s20  }
0xa5: {  	s5 =	ssub.s32 $0x0, s20;
	[sflag:s22] =	ssyncset.done $0x0  }
0xa6: {  	[sflag:s22] =	ssyncadd.s32 s5;
	_ =	sdelay $0x1  }
0xa7: {  	s23 =	simm.s32 $0x1B8B  }
0xa8: {  	_ =	swait.ge [sflag:s23], $0x1  }
0xa9: {  	[sflag:s23] =	ssyncset.done $0x0  }
0xaa: {  	s25 =	simm.s32 $0x1B8E;
	s24 =	sld [smem:$0x3FFE];
	[sflag:s23] =	ssyncadd.s32 $0xFFFFFFFF  }
0xab: {  	s26 =	simm.s32 $execute0_lowered;
	[smem:$0x3FD2] =	sst s25  }
0xac: {  	s6 =	sshll.u32 s26, $0x1;
	_ =	strace $0x80000046;
	[dreg:$0x1] =	wrdreg $0xFFFFFFFF  }
0xad: {  	s28 =	simm.s32 $_size_execute0_lowered;
	s4 =	sadd.s32 s4, s6;
	[dreg:$0x0] =	wrdreg $0x0  }
0xae: {  	s6 =	sshll.u32 s28, $0x1;
	[dreg:$0x2] =	wrdreg s4  }
0xaf: {  	[dreg:$0x3] =	wrdreg s6  }
0xb0: {  	[dreg:$0x4] =	wrdreg $0xC0  }
0xb1: {  	_ =	task [dreg:s8], $0x5FFFF  }
0xb2: {  	[dreg:$0x1] =	wrdreg $0xFFFFFFFF  }
0xb3: {  	[dreg:$0x0] =	wrdreg $0x60  }
0xb4: {  	[dreg:$0x2] =	wrdreg s24  }
0xb5: {  	[dreg:$0x3] =	wrdreg s16  }
0xb6: {  	[dreg:$0x4] =	wrdreg s17  }
0xb7: {  	[dreg:$0x5] =	wrdreg $0x9  }
0xb8: {  	_ =	task.clear_ibuf [dreg:s8], $0x6FFFF;
	_ =	strace $0x90000046  }
0xb9: {  	s29 =	simm.s32 $0x9;
	_ =	strace $0x80000048  }
0xba: {  	_ =	swait.ge [sflag:s29], $0x1  }
0xbb: {  	[sflag:s29] =	ssyncadd.s32 $0xFFFFFFFF  }
0xbc: {  	_ =	strace $0x90000048  }
0xbd: {  	_ =	sfence  }
0xbe: {  	s30 =	sld [smem:$0x0];
	_ =	sdelay $0x2  }
0xbf: {  	s31 =	sshll.u32 s1, $0xD;
	s1 =	sshrl.u32 s1, $0x2  }
0xc0: {  	s3 =	sand.u32 $0x4000, s31;
	s1 =	sadd.s32 s1, s30  }
0xc1: {  	s0 =	sor.u32 s3, s0;
	s1 =	sshll.u32 s1, $0x11  }
0xc2: {  	s0 =	sor.u32 s1, s0  }
0xc3: {  	s0 =	sadd.s32 $0x8F2B, s0  }
0xc4: {  	[sflag:s0] =	ssyncadd.remote.s32 $0x1  }
0xc5: {  	_ =	sfence.sel $0xFFFF  }
0xc6: {  	[dreg:$0x0] =	wrdreg $0xFFFFFFFF;
	(pc) =	sbr.abs _section_cstart, $3  }
0xc7: {  	[dreg:$0x1] =	wrdreg $0xFFFFFFFF  }
0xc8: {  	_ =	task.clear_ibuf [dreg:s8], $0x2FFFF;
	_ =	strace $0x9FFFFFFF  }
0xc9: {  	(tm) =	ssettm $0x7FFFFFFF  }
tec
execute0_lowered:
.L_overlay_start_1:
0x0: {  	(tag) =	ssettag $0x1  }
0x1: {  	s3 =	rddreg [dreg:$0x0]  }
0x2: {  	s4 =	rddreg [dreg:$0x1]  }
0x3: {  	s5 =	rddreg [dreg:$0x2];
	s2 =	srdreg.scid  }
0x4: {  	s0 =	rddreg [dreg:$0x3];
	s1 =	stileid.u32  }
0x5: {  	s9 =	simm.s32 $0x1800;
	s10 =	simm.s32 $0x0;
	s6 =	sand.u32 $0x1, s2  }
0x6: {  	s2 =	simm.s32 $0x0;
	s7 =	sshll.u32 s1, $0xB;
	s8 =	sshll.u32 s6, $0xA  }
0x7: {  	[smem:$0x7FF] =	sst s2;
	s6 =	ssub.s32 $0x2, s6;
	s7 =	sor.u32 s8, s7  }
0x8: {  	_ =	strace $0x80000047;
	s31 =	sshrl.u32 s6, $0x1;
	s8 =	sshrl.u32 s7, $0x1  }
0x9: {  	s7 =	sshrl.u32 s7, $0x2;
	s6 =	ssub.s32 s6, s31;
	s3 =	sadd.s32 s8, s3  }
0xa: {  	s4 =	sadd.s32 s4, s7;
	s5 =	sadd.s32 s5, s7;
	s6 =	smax.u32 s6, $0x1  }
0xb: {  	s7 =	simm.s32 $0x1;
	s8 =	simm.s32 $0x1000;
	s3 =	sadd.s32 $0xE00, s3  }
.LBB2_1:
0xc: {  	[tilespmem:s2], [sflag:$0x1] =	stream.linear.gather [hbm4b:s3+s2], $0x1000, $0x38;
	[tilespmem:$0x2000] =	vst v63  }
0xd: {  	s11 =	simm.s32 $0x0;
	_ =	swait.ge [sflag:s7], $0x1000  }
0xe: {  	s13 =	sand.u32 $0x70, s2;
	s11 =	sand.u32 $0x3FFFFE00, s11;
	[sflag:s7] =	ssyncset.done $0x0  }
0xf: {  	s11 =	sor.u32 s13, s11;
	[sflag:s7] =	ssyncadd.s32 $0xFFFFF000  }
0x10: {  	v0 =	vld [tilespmem:s11+$0x0]  }
0x11: {  	v1 =	vld [tilespmem:s11+$0x80];
	_ =	sdelay $0x4  }
0x12: {  	v0 =	vsub.f32 v1, v0;
	_ =	sdelay $0x1  }
0x13: {  	v0 =	vmul.f32 $1.442695020e+00, v0;
	_ =	sdelay $0x1  }
0x14: {  	(erf) = vpow2.f32 v0;
	_ =	sdelay $0x8  }
0x15: {  	v0 =	vpop (erf)  }
0x16: {  	v1 =	vadd.f32 $1.000000000e+00, v0;
	_ =	sdelay $0x1  }
0x17: {  	(erf) = vrcp.f32 v1  }
0x18: {  	v1 =	vld [tilespmem:s11+$0x180];
	_ =	sdelay $0x1  }
0x19: {  	v2 =	vld [tilespmem:s11+$0x100];
	_ =	sdelay $0x2  }
0x1a: {  	s31 =	simm.s32 $0x0;
	v1 =	vtrunc.f32 v1  }
0x1b: {  	s14 =	simm.s32 $0x10;
	s15 =	sand.u32 $0xFFFFFF00, s31;
	v3 =	vcvt.f32.s32 v1  }
0x1c: {  	s12 =	simm.s32 $0x1;
	s11 =	sand.u32 $0x70, s14;
	s14 =	sor.u32 s13, s15;
	v1 =	vtrunc.f32 v2  }
0x1d: {  	s16 =	simm.s32 $0x40;
	s15 =	simm.s32 $0x2;
	s13 =	simm.s32 $0x20;
	v1 =	vcvt.f32.s32 v1;
	[tilespmem:s14+$0x1880] =	vst v3;
	v2 =	vpop (erf)  }
.LBB2_2:
0x1e: {  	s17 =	sand.u32 $0x70, s13  }
0x1f: {  	s16 =	sand.u32 $0x3FFFFE00, s16;
	v0 =	vmul.f32 v2, v0;
	[tilespmem:s14+$0x1800] =	vst v1;
	s18 =	smov.u32 s15;
	s19 =	sadd.s32 $0x1, s15  }
0x20: {  	p0 =	sne.s32 s15, $0x3F;
	s15 =	sor.u32 s11, s16;
	[tilespmem:s14+$0x1000] =	vst v2  }
0x21: {  	[tilespmem:s14+$0x1080] =	vst v0  }
0x22: {  	v0 =	vld [tilespmem:s15+$0x0]  }
0x23: {  	v1 =	vld [tilespmem:s15+$0x80];
	_ =	sdelay $0x4  }
0x24: {  	v0 =	vsub.f32 v1, v0;
	_ =	sdelay $0x1  }
0x25: {  	v0 =	vmul.f32 $1.442695020e+00, v0;
	_ =	sdelay $0x1  }
0x26: {  	(erf) = vpow2.f32 v0;
	_ =	sdelay $0x8  }
0x27: {  	v0 =	vpop (erf)  }
0x28: {  	v1 =	vadd.f32 $1.000000000e+00, v0;
	_ =	sdelay $0x1  }
0x29: {  	(erf) = vrcp.f32 v1  }
0x2a: {  	v1 =	vld [tilespmem:s15+$0x180]  }
0x2b: {  	v2 =	vld [tilespmem:s15+$0x100];
	_ =	sdelay $0x2  }
.Ltmp0:
0x2c: {  	(pc) =	sbr.rel @p0 .LBB2_2-.Ltmp0, $4  }
0x2d: {  	s14 =	sshll.u32 s12, $0x5;
	s12 =	smov.u32 s18;
	v1 =	vtrunc.f32 v1  }
0x2e: {  	s14 =	sand.u32 $0xFFFFFF00, s14;
	v4 =	vtrunc.f32 v2;
	v3 =	vcvt.f32.s32 v1  }
0x2f: {  	s14 =	sor.u32 s11, s14;
	s11 =	smov.u32 s17;
	v1 =	vcvt.f32.s32 v4  }
0x30: {  	s13 =	sadd.s32 $0x10, s13;
	s16 =	sshll.u32 s12, $0x6;
	s15 =	smov.u32 s19;
	[tilespmem:s14+$0x1880] =	vst v3;
	v2 =	vpop (erf)  }
0x31: {  	v0 =	vmul.f32 v2, v0;
	[tilespmem:s14+$0x1800] =	vst v1  }
0x32: {  	s13 =	sand.u32 $0x3FFFFE00, s16;
	[tilespmem:s14+$0x1000] =	vst v2  }
0x33: {  	s13 =	sor.u32 s11, s13;
	[tilespmem:s14+$0x1080] =	vst v0  }
0x34: {  	v0 =	vld [tilespmem:s13+$0x0]  }
0x35: {  	v1 =	vld [tilespmem:s13+$0x80];
	_ =	sdelay $0x4  }
0x36: {  	v0 =	vsub.f32 v1, v0;
	_ =	sdelay $0x1  }
0x37: {  	v0 =	vmul.f32 $1.442695020e+00, v0;
	_ =	sdelay $0x1  }
0x38: {  	(erf) = vpow2.f32 v0;
	_ =	sdelay $0x8  }
0x39: {  	v0 =	vpop (erf)  }
0x3a: {  	v61 =	vadd.f32 $1.000000000e+00, v0;
	_ =	sdelay $0x1  }
0x3b: {  	(erf) = vrcp.f32 v61  }
0x3c: {  	v62 =	vld [tilespmem:s13+$0x180]  }
0x3d: {  	v2 =	vld [tilespmem:s13+$0x100];
	_ =	sdelay $0x3  }
0x3e: {  	s12 =	sshll.u32 s12, $0x5;
	v1 =	vtrunc.f32 v62  }
0x3f: {  	s12 =	sand.u32 $0xFFFFFF00, s12;
	v2 =	vtrunc.f32 v2;
	v1 =	vcvt.f32.s32 v1  }
0x40: {  	s31 =	sor.u32 s11, s12;
	v2 =	vcvt.f32.s32 v2  }
0x41: {  	[tilespmem:s31+$0x1880] =	vst v1;
	v63 =	vpop (erf)  }
0x42: {  	[tilespmem:s31+$0x1800] =	vst v2;
	v0 =	vmul.f32 v63, v0  }
0x43: {  	[tilespmem:s31+$0x1000] =	vst v63  }
0x44: {  	[tilespmem:s31+$0x1080] =	vst v0  }
0x45: {  	[hbm4b:s4+s2] =	stream.linear.scatter [tilespmem:s8], [sflag:$0x1], $0x800, $0x38;
	[tilespmem:$0x2000] =	vst v63  }
0x46: {  	s10 =	sadd.s32 $0x1, s10;
	_ =	swait.ge [sflag:s7], $0x800  }
0x47: {  	p0 =	sne.s32 s10, s6;
	[sflag:s7] =	ssyncset.done $0x0  }
.Ltmp1:
0x48: {  	[sflag:s7] =	ssyncadd.s32 $0xFFFFF800;
	(pc) =	sbr.rel @p0 .LBB2_1-.Ltmp1, $4  }
0x49: {  	[hbm4b:s5+s2] =	stream.linear.scatter [tilespmem:s9], [sflag:$0x1], $0x800, $0x38;
	[tilespmem:$0x2000] =	vst v63  }
0x4a: {  	_ =	swait.ge [sflag:s7], $0x800  }
0x4b: {  	[sflag:s7] =	ssyncset.done $0x0  }
0x4c: {  	[sflag:s7] =	ssyncadd.s32 $0xFFFFF800  }
0x4d: {  	_ =	sfence.sel $0x180000  }
0x4e: {  	[bflag:$0x0] =	sbarrier.arrive $0xFFFF  }
0x4f: {  	p0 =	sne.s32 s1, $0x0;
	_ =	strace $0x90000047  }
0x50: {  	s0 =	sadd.s32 @!p0 $0x100000, s0;
	[bflag:$0x2] =	sbarrier.arrive $0xFFFF  }
0x51: {  	[sflag:s0] =	ssyncadd.tile.s32 @!p0 $0x1;
	_ =	shalt  }
.Lfunc_end2:
_tile_overlayer_lowered:
.L_overlay_start_2:
0x52: {  	(tag) =	ssettag $0x2  }
0x53: {  	s0 =	rddreg [dreg:$0x0];
	s2 =	stileid.u32  }
0x54: {  	s1 =	rddreg [dreg:$0x1];
	p0 =	sne.s32 s2, $0x0  }
0x55: {  	s3 =	rddreg [dreg:$0x2];
	[bflag:$0x3] =	sbarrier.arrive $0xFFFF;
	s2 =	simm.s32 @!p0 $0x1C01  }
0x56: {  	[timem:s3], [sflag:s2] =	dma.local @!p0 [hbm:s0], s1  }
0x57: {  	s0 =	simm.s32 @!p0 $0x1  }
0x58: {  	_ =	swait.ge @!p0 [sflag:s0], s1  }
0x59: {  	s1 =	ssub.s32 @!p0 $0x0, s1;
	[sflag:s0] =	ssyncset.done @!p0 $0x0  }
0x5a: {  	[sflag:s0] =	ssyncadd.s32 @!p0 s1  }
0x5b: {  	[bflag:$0x3] =	sbarrier.arrive $0xFFFF  }
0x5c: {  	_ =	shalt  }

</sc_bundles>
